<compile_context>
chip_gen: v7x
topology: tpu7x:2x2x1
jax: 0.10.2.dev20260603
libtpu: 0.0.44.dev20260713+nightly
codegen_flags: <defaults>
</compile_context>

<pallas_src>
import functools
import math

import jax
import jax.numpy as jnp
from jax import lax
from jax.experimental import pallas as pl
from jax.experimental.pallas import tpu as pltpu
from jax.experimental.pallas import tpu_sc as plsc

_LANES = 16
_CHUNK_ROWS = 16


def _make_sc_kernel(batch, seq_len, d_model, scale):
    info = plsc.get_sparse_core_info()
    nw = info.num_cores * info.num_subcores
    total_rows = batch * seq_len
    rows_per_w = total_rows // nw
    assert total_rows % nw == 0
    assert rows_per_w % (2 * _CHUNK_ROWS) == 0
    assert seq_len % rows_per_w == 0
    w_per_b = seq_len // rows_per_w
    n_pairs = rows_per_w // _CHUNK_ROWS // 2
    mesh = plsc.VectorSubcoreMesh(core_axis_name="c", subcore_axis_name="s")

    @functools.partial(
        pl.kernel,
        out_type=jax.ShapeDtypeStruct((batch, seq_len, d_model), jnp.float32),
        mesh=mesh,
        scratch_types=[
            pltpu.VMEM((_CHUNK_ROWS, d_model), jnp.float32),
            pltpu.VMEM((_CHUNK_ROWS, d_model), jnp.float32),
            pltpu.VMEM((_CHUNK_ROWS, d_model), jnp.float32),
            pltpu.VMEM((_CHUNK_ROWS, d_model), jnp.float32),
            pltpu.SemaphoreType.DMA,
            pltpu.SemaphoreType.DMA,
            pltpu.SemaphoreType.DMA,
            pltpu.SemaphoreType.DMA,
        ],
        compiler_params=pltpu.CompilerParams(use_tc_tiling_on_sc=True),
    )
    def sc_kernel(x_hbm, pe_hbm, o_hbm, xb0, pb0, xb1, pb1, ld0, ld1, st0, st1):
        wid = lax.axis_index("s") * info.num_cores + lax.axis_index("c")
        b = wid // w_per_b
        s0 = (wid % w_per_b) * rows_per_w

        def start_load(c, xb, pb, sem):
            r = s0 + c * _CHUNK_ROWS
            pltpu.async_copy(x_hbm.at[b, pl.ds(r, _CHUNK_ROWS), :], xb, sem)
            pltpu.async_copy(pe_hbm.at[pl.ds(r, _CHUNK_ROWS), :], pb, sem)

        def wait_load(c, xb, pb, sem):
            r = s0 + c * _CHUNK_ROWS
            pltpu.make_async_copy(x_hbm.at[b, pl.ds(r, _CHUNK_ROWS), :], xb, sem).wait()
            pltpu.make_async_copy(pe_hbm.at[pl.ds(r, _CHUNK_ROWS), :], pb, sem).wait()

        def start_store(c, xb, sem):
            r = s0 + c * _CHUNK_ROWS
            pltpu.async_copy(xb, o_hbm.at[b, pl.ds(r, _CHUNK_ROWS), :], sem)

        def wait_store(c, xb, sem):
            r = s0 + c * _CHUNK_ROWS
            pltpu.make_async_copy(xb, o_hbm.at[b, pl.ds(r, _CHUNK_ROWS), :], sem).wait()

        def compute(xb, pb):
            def row(r, _):
                @plsc.parallel_loop(0, d_model // _LANES, unroll=16)
                def body(i):
                    sl = pl.ds(i * _LANES, _LANES)
                    xb[r, sl] = xb[r, sl] + pb[r, sl] * scale

                return ()

            lax.fori_loop(0, _CHUNK_ROWS, row, ())

        start_load(0, xb0, pb0, ld0)
        start_load(1, xb1, pb1, ld1)

        def step(j, _):
            c0 = 2 * j
            c1 = c0 + 1
            wait_load(c0, xb0, pb0, ld0)
            compute(xb0, pb0)
            start_store(c0, xb0, st0)
            wait_load(c1, xb1, pb1, ld1)
            compute(xb1, pb1)
            start_store(c1, xb1, st1)
            wait_store(c0, xb0, st0)

            @pl.when(j + 1 < n_pairs)
            def _():
                start_load(c0 + 2, xb0, pb0, ld0)

            wait_store(c1, xb1, st1)

            @pl.when(j + 1 < n_pairs)
            def _():
                start_load(c1 + 2, xb1, pb1, ld1)

            return ()

        lax.fori_loop(0, n_pairs, step, ())

    return sc_kernel


def kernel(x, pos_embed):
    batch, seq_len, d_model = x.shape
    scale = math.sqrt(d_model)
    pe = pos_embed[:seq_len]
    sc = _make_sc_kernel(batch, seq_len, d_model, scale)
    return sc(x, pe)

# --- scband reference (transcript-rebuilt; emitter-appended) ---
"""Pipeline reference for scband-learned-positional-encoding-53961969107388 (READ-ONLY COPY).

The authoritative reference and input builder live on the scoring server;
editing this copy changes nothing except your own understanding.
"""

import jax, jax.numpy as jnp
import numpy as np
import math

D_MODEL = 1024
MAX_LEN = 8192
BATCH = 4
SEQ_LEN = 8192

def setup_inputs(seed: int = 0) -> dict:
    key = jax.random.key(seed)
    k1, k2 = jax.random.split(key)
    x = jax.random.normal(k1, (BATCH, SEQ_LEN, D_MODEL), dtype=jnp.float32)
    pos_embed = jax.random.normal(k2, (MAX_LEN, D_MODEL), dtype=jnp.float32) * 0.02
    return {"x": x, "pos_embed": pos_embed}

def reference(x, pos_embed):
    seq_len = x.shape[1]
    scale = math.sqrt(x.shape[2])
    positions = jnp.arange(seq_len)
    pe = jnp.take(pos_embed, positions, axis=0)
    return x + pe * scale

if __name__ == "__main__":
    import jax
    _d = setup_inputs()
    print(jax.jit(kernel)(*tuple(_d.values())))

</pallas_src>

<mosaic_0001>
#map = affine_map<(d0, d1) -> (0, 0, 0)>
#map1 = affine_map<(d0, d1) -> (0, 0)>
module attributes {stable_mosaic.version = 14 : i64} {
  func.func @sc_kernel(%arg0: i32, %arg1: i32, %arg2: memref<4x8192x1024xf32, #tpu.memory_space<hbm>>, %arg3: memref<8192x1024xf32, #tpu.memory_space<hbm>>, %arg4: memref<4x8192x1024xf32, #tpu.memory_space<hbm>>, %arg5: memref<16x1024xf32, #tpu.memory_space<vmem>>, %arg6: memref<16x1024xf32, #tpu.memory_space<vmem>>, %arg7: memref<16x1024xf32, #tpu.memory_space<vmem>>, %arg8: memref<16x1024xf32, #tpu.memory_space<vmem>>, %arg9: memref<!tpu.dma_semaphore, #tpu.memory_space<semaphore_mem>>, %arg10: memref<!tpu.dma_semaphore, #tpu.memory_space<semaphore_mem>>, %arg11: memref<!tpu.dma_semaphore, #tpu.memory_space<semaphore_mem>>, %arg12: memref<!tpu.dma_semaphore, #tpu.memory_space<semaphore_mem>>) attributes {dimension_semantics = [#tpu.dimension_semantics<core_parallel>, #tpu.dimension_semantics<subcore_parallel>], iteration_bounds = array<i64: 2, 16>, scalar_prefetch = 0 : i64, scratch_operands = 8 : i64, tpu.core_type = #tpu.core_type<sc_vector_subcore>, window_params = [{transform_indices = #map}, {transform_indices = #map1}, {transform_indices = #map}]} {
    %mul3A = arith.constant 2 : i32
    %mul3A_0 = arith.muli %arg1, %mul3A : i32
    %add3A = arith.addi %mul3A_0, %arg0 : i32
    %jit3A = arith.constant 8 : i32
    %div3A = arith.divsi %add3A, %jit3A : i32
    %sign3A = arith.constant 0 : i32
    %sign3A_1 = arith.cmpi sgt, %add3A, %sign3A : i32
    %sign3A_2 = arith.extui %sign3A_1 : i1 to i32
    %sign3A_3 = arith.constant 0 : i32
    %sign3A_4 = arith.cmpi slt, %add3A, %sign3A_3 : i32
    %sign3A_5 = arith.extui %sign3A_4 : i1 to i32
    %sign3A_6 = arith.subi %sign3A_2, %sign3A_5 : i32
    %sign3A_7 = arith.constant 0 : i32
    %sign3A_8 = arith.cmpi sgt, %jit3A, %sign3A_7 : i32
    %sign3A_9 = arith.extui %sign3A_8 : i1 to i32
    %sign3A_10 = arith.constant 0 : i32
    %sign3A_11 = arith.cmpi slt, %jit3A, %sign3A_10 : i32
    %sign3A_12 = arith.extui %sign3A_11 : i1 to i32
    %sign3A_13 = arith.subi %sign3A_9, %sign3A_12 : i32
    %ne3A = arith.cmpi ne, %sign3A_6, %sign3A_13 : i32
    %rem3A = arith.remsi %add3A, %jit3A : i32
    %ne3A_14 = arith.constant 0 : i32
    %ne3A_15 = arith.cmpi ne, %rem3A, %ne3A_14 : i32
    %and3A = arith.andi %ne3A, %ne3A_15 : i1
    %sub3A = arith.constant 1 : i32
    %sub3A_16 = arith.subi %div3A, %sub3A : i32
    %select_n3A = arith.select %and3A, %sub3A_16, %div3A : i32
    %jit3A_17 = arith.constant 8 : i32
    %eq3A = arith.constant 0 : i32
    %eq3A_18 = arith.cmpi eq, %jit3A_17, %eq3A : i32
    %jit3A_19 = arith.constant 1 : i32
    %select_n3A_20 = arith.select %eq3A_18, %jit3A_19, %jit3A_17 : i32
    %rem3A_21 = arith.remsi %add3A, %select_n3A_20 : i32
    %ne3A_22 = arith.constant 0 : i32
    %ne3A_23 = arith.cmpi ne, %rem3A_21, %ne3A_22 : i32
    %lt3A = arith.constant 0 : i32
    %lt3A_24 = arith.cmpi slt, %rem3A_21, %lt3A : i32
    %lt3A_25 = arith.constant 0 : i32
    %lt3A_26 = arith.cmpi slt, %select_n3A_20, %lt3A_25 : i32
    %ne3A_27 = arith.xori %lt3A_24, %lt3A_26 : i1
    %and3A_28 = arith.andi %ne3A_27, %ne3A_23 : i1
    %add3A_29 = arith.addi %rem3A_21, %select_n3A_20 : i32
    %select_n3A_30 = arith.select %and3A_28, %add3A_29, %rem3A_21 : i32
    %mul3A_31 = arith.constant 1024 : i32
    %mul3A_32 = arith.muli %select_n3A_30, %mul3A_31 : i32
    %add3A_33 = arith.constant 0 : i32
    %add3A_34 = arith.addi %mul3A_32, %add3A_33 : i32
    %dma_start3A = arith.constant 0 : i32
    %dma_start3A_35 = tpu.memref_slice %arg2[%select_n3A, %add3A_34, %dma_start3A] : memref<4x8192x1024xf32, #tpu.memory_space<hbm>> -> memref<1x16x1024xf32, #tpu.memory_space<hbm>>
    %dma_start3A_36 = tpu.memref_squeeze %dma_start3A_35 : memref<1x16x1024xf32, #tpu.memory_space<hbm>> -> memref<16x1024xf32, #tpu.memory_space<hbm>>
    %dma_start3A_37 = arith.constant 0 : i32
    %dma_start3A_38 = tpu.memref_slice %arg2[%select_n3A, %add3A_34, %dma_start3A_37] : memref<4x8192x1024xf32, #tpu.memory_space<hbm>> -> memref<1x16x1024xf32, #tpu.memory_space<hbm>>
    %dma_start3A_39 = tpu.memref_squeeze %dma_start3A_38 : memref<1x16x1024xf32, #tpu.memory_space<hbm>> -> memref<16x1024xf32, #tpu.memory_space<hbm>>
    tpu.enqueue_dma source(%dma_start3A_39 : memref<16x1024xf32, #tpu.memory_space<hbm>>) target(%arg5 : memref<16x1024xf32, #tpu.memory_space<vmem>>) target_semaphore(%arg9 : memref<!tpu.dma_semaphore, #tpu.memory_space<semaphore_mem>>)
    %dma_start3A_40 = arith.constant 0 : i32
    %dma_start3A_41 = tpu.memref_slice %arg3[%add3A_34, %dma_start3A_40] : memref<8192x1024xf32, #tpu.memory_space<hbm>> -> memref<16x1024xf32, #tpu.memory_space<hbm>>
    %dma_start3A_42 = arith.constant 0 : i32
    %dma_start3A_43 = tpu.memref_slice %arg3[%add3A_34, %dma_start3A_42] : memref<8192x1024xf32, #tpu.memory_space<hbm>> -> memref<16x1024xf32, #tpu.memory_space<hbm>>
    tpu.enqueue_dma source(%dma_start3A_43 : memref<16x1024xf32, #tpu.memory_space<hbm>>) target(%arg6 : memref<16x1024xf32, #tpu.memory_space<vmem>>) target_semaphore(%arg9 : memref<!tpu.dma_semaphore, #tpu.memory_space<semaphore_mem>>)
    %add3A_44 = arith.constant 16 : i32
    %add3A_45 = arith.addi %mul3A_32, %add3A_44 : i32
    %dma_start3A_46 = arith.constant 0 : i32
    %dma_start3A_47 = tpu.memref_slice %arg2[%select_n3A, %add3A_45, %dma_start3A_46] : memref<4x8192x1024xf32, #tpu.memory_space<hbm>> -> memref<1x16x1024xf32, #tpu.memory_space<hbm>>
    %dma_start3A_48 = tpu.memref_squeeze %dma_start3A_47 : memref<1x16x1024xf32, #tpu.memory_space<hbm>> -> memref<16x1024xf32, #tpu.memory_space<hbm>>
    %dma_start3A_49 = arith.constant 0 : i32
    %dma_start3A_50 = tpu.memref_slice %arg2[%select_n3A, %add3A_45, %dma_start3A_49] : memref<4x8192x1024xf32, #tpu.memory_space<hbm>> -> memref<1x16x1024xf32, #tpu.memory_space<hbm>>
    %dma_start3A_51 = tpu.memref_squeeze %dma_start3A_50 : memref<1x16x1024xf32, #tpu.memory_space<hbm>> -> memref<16x1024xf32, #tpu.memory_space<hbm>>
    tpu.enqueue_dma source(%dma_start3A_51 : memref<16x1024xf32, #tpu.memory_space<hbm>>) target(%arg7 : memref<16x1024xf32, #tpu.memory_space<vmem>>) target_semaphore(%arg10 : memref<!tpu.dma_semaphore, #tpu.memory_space<semaphore_mem>>)
    %dma_start3A_52 = arith.constant 0 : i32
    %dma_start3A_53 = tpu.memref_slice %arg3[%add3A_45, %dma_start3A_52] : memref<8192x1024xf32, #tpu.memory_space<hbm>> -> memref<16x1024xf32, #tpu.memory_space<hbm>>
    %dma_start3A_54 = arith.constant 0 : i32
    %dma_start3A_55 = tpu.memref_slice %arg3[%add3A_45, %dma_start3A_54] : memref<8192x1024xf32, #tpu.memory_space<hbm>> -> memref<16x1024xf32, #tpu.memory_space<hbm>>
    tpu.enqueue_dma source(%dma_start3A_55 : memref<16x1024xf32, #tpu.memory_space<hbm>>) target(%arg8 : memref<16x1024xf32, #tpu.memory_space<vmem>>) target_semaphore(%arg10 : memref<!tpu.dma_semaphore, #tpu.memory_space<semaphore_mem>>)
    %scan3A = arith.constant 0 : i32
    %scan3A_56 = arith.constant 32 : i32
    %scan3A_57 = arith.addi %scan3A, %scan3A_56 : i32
    %scan3A_58 = arith.constant 1 : i32
    scf.for %scan3A_60 = %scan3A to %scan3A_57 step %scan3A_58  : i32 {
      %mul3A_61 = arith.constant 2 : i32
      %mul3A_62 = arith.muli %mul3A_61, %scan3A_60 : i32
      %add3A_63 = arith.constant 1 : i32
      %add3A_64 = arith.addi %mul3A_62, %add3A_63 : i32
      %mul3A_65 = arith.constant 16 : i32
      %mul3A_66 = arith.muli %mul3A_62, %mul3A_65 : i32
      %add3A_67 = arith.addi %mul3A_32, %mul3A_66 : i32
      %dma_wait3A = arith.constant 0 : i32
      %dma_wait3A_68 = tpu.memref_slice %arg2[%select_n3A, %add3A_67, %dma_wait3A] : memref<4x8192x1024xf32, #tpu.memory_space<hbm>> -> memref<1x16x1024xf32, #tpu.memory_space<hbm>>
      %dma_wait3A_69 = tpu.memref_squeeze %dma_wait3A_68 : memref<1x16x1024xf32, #tpu.memory_space<hbm>> -> memref<16x1024xf32, #tpu.memory_space<hbm>>
      %dma_wait3A_70 = arith.constant 0 : i32
      %dma_wait3A_71 = tpu.memref_slice %arg2[%select_n3A, %add3A_67, %dma_wait3A_70] : memref<4x8192x1024xf32, #tpu.memory_space<hbm>> -> memref<1x16x1024xf32, #tpu.memory_space<hbm>>
      %dma_wait3A_72 = tpu.memref_squeeze %dma_wait3A_71 : memref<1x16x1024xf32, #tpu.memory_space<hbm>> -> memref<16x1024xf32, #tpu.memory_space<hbm>>
      tpu.wait_dma2 semaphore(%arg9 : memref<!tpu.dma_semaphore, #tpu.memory_space<semaphore_mem>>) src(%dma_wait3A_72 : memref<16x1024xf32, #tpu.memory_space<hbm>>) dst(%arg5 : memref<16x1024xf32, #tpu.memory_space<vmem>>)
      %dma_wait3A_73 = arith.constant 0 : i32
      %dma_wait3A_74 = tpu.memref_slice %arg3[%add3A_67, %dma_wait3A_73] : memref<8192x1024xf32, #tpu.memory_space<hbm>> -> memref<16x1024xf32, #tpu.memory_space<hbm>>
      %dma_wait3A_75 = arith.constant 0 : i32
      %dma_wait3A_76 = tpu.memref_slice %arg3[%add3A_67, %dma_wait3A_75] : memref<8192x1024xf32, #tpu.memory_space<hbm>> -> memref<16x1024xf32, #tpu.memory_space<hbm>>
      tpu.wait_dma2 semaphore(%arg9 : memref<!tpu.dma_semaphore, #tpu.memory_space<semaphore_mem>>) src(%dma_wait3A_76 : memref<16x1024xf32, #tpu.memory_space<hbm>>) dst(%arg6 : memref<16x1024xf32, #tpu.memory_space<vmem>>)
      %scan3A_77 = arith.constant 0 : i32
      %scan3A_78 = arith.constant 16 : i32
      %scan3A_79 = arith.addi %scan3A_77, %scan3A_78 : i32
      %scan3A_80 = arith.constant 1 : i32
      scf.for %scan3A_148 = %scan3A_77 to %scan3A_79 step %scan3A_80  : i32 {
        %parallel_loop3A = arith.constant 0 : i32
        %parallel_loop3A_149 = arith.constant 64 : i32
        %parallel_loop3A_150 = arith.constant 1 : i32
        scf.for %parallel_loop3A_151 = %parallel_loop3A to %parallel_loop3A_149 step %parallel_loop3A_150  : i32 {
          %parallel_loop3A_152 = arith.constant 16 : i32
          %parallel_loop3A_153 = arith.muli %parallel_loop3A_151, %parallel_loop3A_152 : i32
          %parallel_loop3A_154 = arith.index_cast %scan3A_148 : i32 to index
          %parallel_loop3A_155 = arith.index_cast %parallel_loop3A_153 : i32 to index
          %parallel_loop3A_156 = tpu.vector_load %arg5[%parallel_loop3A_154, %parallel_loop3A_155] {strides = array<i32>} : memref<16x1024xf32, #tpu.memory_space<vmem>>, vector<1x16xf32>,
          %parallel_loop3A_157 = vector.shape_cast %parallel_loop3A_156 : vector<1x16xf32> to vector<16xf32>
          %parallel_loop3A_158 = arith.index_cast %scan3A_148 : i32 to index
          %parallel_loop3A_159 = arith.index_cast %parallel_loop3A_153 : i32 to index
          %parallel_loop3A_160 = tpu.vector_load %arg6[%parallel_loop3A_158, %parallel_loop3A_159] {strides = array<i32>} : memref<16x1024xf32, #tpu.memory_space<vmem>>, vector<1x16xf32>,
          %parallel_loop3A_161 = vector.shape_cast %parallel_loop3A_160 : vector<1x16xf32> to vector<16xf32>
          %parallel_loop3A_162 = arith.constant 3.200000e+01 : f32
          %parallel_loop3A_163 = vector.broadcast %parallel_loop3A_162 : f32 to vector<16xf32>
          %parallel_loop3A_164 = arith.mulf %parallel_loop3A_161, %parallel_loop3A_163 : vector<16xf32>
          %parallel_loop3A_165 = arith.addf %parallel_loop3A_157, %parallel_loop3A_164 : vector<16xf32>
          %parallel_loop3A_166 = arith.index_cast %scan3A_148 : i32 to index
          %parallel_loop3A_167 = arith.index_cast %parallel_loop3A_153 : i32 to index
          %parallel_loop3A_168 = tpu.vector_load %arg5[%parallel_loop3A_166, %parallel_loop3A_167] {strides = array<i32>} : memref<16x1024xf32, #tpu.memory_space<vmem>>, vector<1x16xf32>,
          %parallel_loop3A_169 = vector.shape_cast %parallel_loop3A_168 : vector<1x16xf32> to vector<16xf32>
          %parallel_loop3A_170 = vector.shape_cast %parallel_loop3A_165 : vector<16xf32> to vector<1x16xf32>
          tpu.vector_store %arg5[%parallel_loop3A_166, %parallel_loop3A_167], %parallel_loop3A_170 {strides = array<i32>} : memref<16x1024xf32, #tpu.memory_space<vmem>>, vector<1x16xf32>,
        } {sc.loop_unroll_factor = 16 : i64, sc.parallel_access}
      }
      %scan3A_81 = arith.constant 16 : i32
      %mul3A_82 = arith.constant 16 : i32
      %mul3A_83 = arith.muli %mul3A_62, %mul3A_82 : i32
      %add3A_84 = arith.addi %mul3A_32, %mul3A_83 : i32
      %dma_start3A_85 = arith.constant 0 : i32
      %dma_start3A_86 = tpu.memref_slice %arg4[%select_n3A, %add3A_84, %dma_start3A_85] : memref<4x8192x1024xf32, #tpu.memory_space<hbm>> -> memref<1x16x1024xf32, #tpu.memory_space<hbm>>
      %dma_start3A_87 = tpu.memref_squeeze %dma_start3A_86 : memref<1x16x1024xf32, #tpu.memory_space<hbm>> -> memref<16x1024xf32, #tpu.memory_space<hbm>>
      %dma_start3A_88 = arith.constant 0 : i32
      %dma_start3A_89 = tpu.memref_slice %arg4[%select_n3A, %add3A_84, %dma_start3A_88] : memref<4x8192x1024xf32, #tpu.memory_space<hbm>> -> memref<1x16x1024xf32, #tpu.memory_space<hbm>>
      %dma_start3A_90 = tpu.memref_squeeze %dma_start3A_89 : memref<1x16x1024xf32, #tpu.memory_space<hbm>> -> memref<16x1024xf32, #tpu.memory_space<hbm>>
      tpu.enqueue_dma source(%arg5 : memref<16x1024xf32, #tpu.memory_space<vmem>>) target(%dma_start3A_90 : memref<16x1024xf32, #tpu.memory_space<hbm>>) target_semaphore(%arg11 : memref<!tpu.dma_semaphore, #tpu.memory_space<semaphore_mem>>)
      %mul3A_91 = arith.constant 16 : i32
      %mul3A_92 = arith.muli %add3A_64, %mul3A_91 : i32
      %add3A_93 = arith.addi %mul3A_32, %mul3A_92 : i32
      %dma_wait3A_94 = arith.constant 0 : i32
      %dma_wait3A_95 = tpu.memref_slice %arg2[%select_n3A, %add3A_93, %dma_wait3A_94] : memref<4x8192x1024xf32, #tpu.memory_space<hbm>> -> memref<1x16x1024xf32, #tpu.memory_space<hbm>>
      %dma_wait3A_96 = tpu.memref_squeeze %dma_wait3A_95 : memref<1x16x1024xf32, #tpu.memory_space<hbm>> -> memref<16x1024xf32, #tpu.memory_space<hbm>>
      %dma_wait3A_97 = arith.constant 0 : i32
      %dma_wait3A_98 = tpu.memref_slice %arg2[%select_n3A, %add3A_93, %dma_wait3A_97] : memref<4x8192x1024xf32, #tpu.memory_space<hbm>> -> memref<1x16x1024xf32, #tpu.memory_space<hbm>>
      %dma_wait3A_99 = tpu.memref_squeeze %dma_wait3A_98 : memref<1x16x1024xf32, #tpu.memory_space<hbm>> -> memref<16x1024xf32, #tpu.memory_space<hbm>>
      tpu.wait_dma2 semaphore(%arg10 : memref<!tpu.dma_semaphore, #tpu.memory_space<semaphore_mem>>) src(%dma_wait3A_99 : memref<16x1024xf32, #tpu.memory_space<hbm>>) dst(%arg7 : memref<16x1024xf32, #tpu.memory_space<vmem>>)
      %dma_wait3A_100 = arith.constant 0 : i32
      %dma_wait3A_101 = tpu.memref_slice %arg3[%add3A_93, %dma_wait3A_100] : memref<8192x1024xf32, #tpu.memory_space<hbm>> -> memref<16x1024xf32, #tpu.memory_space<hbm>>
      %dma_wait3A_102 = arith.constant 0 : i32
      %dma_wait3A_103 = tpu.memref_slice %arg3[%add3A_93, %dma_wait3A_102] : memref<8192x1024xf32, #tpu.memory_space<hbm>> -> memref<16x1024xf32, #tpu.memory_space<hbm>>
      tpu.wait_dma2 semaphore(%arg10 : memref<!tpu.dma_semaphore, #tpu.memory_space<semaphore_mem>>) src(%dma_wait3A_103 : memref<16x1024xf32, #tpu.memory_space<hbm>>) dst(%arg8 : memref<16x1024xf32, #tpu.memory_space<vmem>>)
      %scan3A_104 = arith.constant 0 : i32
      %scan3A_105 = arith.constant 16 : i32
      %scan3A_106 = arith.addi %scan3A_104, %scan3A_105 : i32
      %scan3A_107 = arith.constant 1 : i32
      scf.for %scan3A_148 = %scan3A_104 to %scan3A_106 step %scan3A_107  : i32 {
        %parallel_loop3A = arith.constant 0 : i32
        %parallel_loop3A_149 = arith.constant 64 : i32
        %parallel_loop3A_150 = arith.constant 1 : i32
        scf.for %parallel_loop3A_151 = %parallel_loop3A to %parallel_loop3A_149 step %parallel_loop3A_150  : i32 {
          %parallel_loop3A_152 = arith.constant 16 : i32
          %parallel_loop3A_153 = arith.muli %parallel_loop3A_151, %parallel_loop3A_152 : i32
          %parallel_loop3A_154 = arith.index_cast %scan3A_148 : i32 to index
          %parallel_loop3A_155 = arith.index_cast %parallel_loop3A_153 : i32 to index
          %parallel_loop3A_156 = tpu.vector_load %arg7[%parallel_loop3A_154, %parallel_loop3A_155] {strides = array<i32>} : memref<16x1024xf32, #tpu.memory_space<vmem>>, vector<1x16xf32>,
          %parallel_loop3A_157 = vector.shape_cast %parallel_loop3A_156 : vector<1x16xf32> to vector<16xf32>
          %parallel_loop3A_158 = arith.index_cast %scan3A_148 : i32 to index
          %parallel_loop3A_159 = arith.index_cast %parallel_loop3A_153 : i32 to index
          %parallel_loop3A_160 = tpu.vector_load %arg8[%parallel_loop3A_158, %parallel_loop3A_159] {strides = array<i32>} : memref<16x1024xf32, #tpu.memory_space<vmem>>, vector<1x16xf32>,
          %parallel_loop3A_161 = vector.shape_cast %parallel_loop3A_160 : vector<1x16xf32> to vector<16xf32>
          %parallel_loop3A_162 = arith.constant 3.200000e+01 : f32
          %parallel_loop3A_163 = vector.broadcast %parallel_loop3A_162 : f32 to vector<16xf32>
          %parallel_loop3A_164 = arith.mulf %parallel_loop3A_161, %parallel_loop3A_163 : vector<16xf32>
          %parallel_loop3A_165 = arith.addf %parallel_loop3A_157, %parallel_loop3A_164 : vector<16xf32>
          %parallel_loop3A_166 = arith.index_cast %scan3A_148 : i32 to index
          %parallel_loop3A_167 = arith.index_cast %parallel_loop3A_153 : i32 to index
          %parallel_loop3A_168 = tpu.vector_load %arg7[%parallel_loop3A_166, %parallel_loop3A_167] {strides = array<i32>} : memref<16x1024xf32, #tpu.memory_space<vmem>>, vector<1x16xf32>,
          %parallel_loop3A_169 = vector.shape_cast %parallel_loop3A_168 : vector<1x16xf32> to vector<16xf32>
          %parallel_loop3A_170 = vector.shape_cast %parallel_loop3A_165 : vector<16xf32> to vector<1x16xf32>
          tpu.vector_store %arg7[%parallel_loop3A_166, %parallel_loop3A_167], %parallel_loop3A_170 {strides = array<i32>} : memref<16x1024xf32, #tpu.memory_space<vmem>>, vector<1x16xf32>,
        } {sc.loop_unroll_factor = 16 : i64, sc.parallel_access}
      }
      %scan3A_108 = arith.constant 16 : i32
      %mul3A_109 = arith.constant 16 : i32
      %mul3A_110 = arith.muli %add3A_64, %mul3A_109 : i32
      %add3A_111 = arith.addi %mul3A_32, %mul3A_110 : i32
      %dma_start3A_112 = arith.constant 0 : i32
      %dma_start3A_113 = tpu.memref_slice %arg4[%select_n3A, %add3A_111, %dma_start3A_112] : memref<4x8192x1024xf32, #tpu.memory_space<hbm>> -> memref<1x16x1024xf32, #tpu.memory_space<hbm>>
      %dma_start3A_114 = tpu.memref_squeeze %dma_start3A_113 : memref<1x16x1024xf32, #tpu.memory_space<hbm>> -> memref<16x1024xf32, #tpu.memory_space<hbm>>
      %dma_start3A_115 = arith.constant 0 : i32
      %dma_start3A_116 = tpu.memref_slice %arg4[%select_n3A, %add3A_111, %dma_start3A_115] : memref<4x8192x1024xf32, #tpu.memory_space<hbm>> -> memref<1x16x1024xf32, #tpu.memory_space<hbm>>
      %dma_start3A_117 = tpu.memref_squeeze %dma_start3A_116 : memref<1x16x1024xf32, #tpu.memory_space<hbm>> -> memref<16x1024xf32, #tpu.memory_space<hbm>>
      tpu.enqueue_dma source(%arg7 : memref<16x1024xf32, #tpu.memory_space<vmem>>) target(%dma_start3A_117 : memref<16x1024xf32, #tpu.memory_space<hbm>>) target_semaphore(%arg12 : memref<!tpu.dma_semaphore, #tpu.memory_space<semaphore_mem>>)
      %mul3A_118 = arith.constant 16 : i32
      %mul3A_119 = arith.muli %mul3A_62, %mul3A_118 : i32
      %add3A_120 = arith.addi %mul3A_32, %mul3A_119 : i32
      %dma_wait3A_121 = arith.constant 0 : i32
      %dma_wait3A_122 = tpu.memref_slice %arg4[%select_n3A, %add3A_120, %dma_wait3A_121] : memref<4x8192x1024xf32, #tpu.memory_space<hbm>> -> memref<1x16x1024xf32, #tpu.memory_space<hbm>>
      %dma_wait3A_123 = tpu.memref_squeeze %dma_wait3A_122 : memref<1x16x1024xf32, #tpu.memory_space<hbm>> -> memref<16x1024xf32, #tpu.memory_space<hbm>>
      %dma_wait3A_124 = arith.constant 0 : i32
      %dma_wait3A_125 = tpu.memref_slice %arg4[%select_n3A, %add3A_120, %dma_wait3A_124] : memref<4x8192x1024xf32, #tpu.memory_space<hbm>> -> memref<1x16x1024xf32, #tpu.memory_space<hbm>>
      %dma_wait3A_126 = tpu.memref_squeeze %dma_wait3A_125 : memref<1x16x1024xf32, #tpu.memory_space<hbm>> -> memref<16x1024xf32, #tpu.memory_space<hbm>>
      tpu.wait_dma2 semaphore(%arg11 : memref<!tpu.dma_semaphore, #tpu.memory_space<semaphore_mem>>) src(%arg5 : memref<16x1024xf32, #tpu.memory_space<vmem>>) dst(%dma_wait3A_126 : memref<16x1024xf32, #tpu.memory_space<hbm>>)
      %add3A_127 = arith.constant 1 : i32
      %add3A_128 = arith.addi %scan3A_60, %add3A_127 : i32
      %lt3A_129 = arith.constant 32 : i32
      %lt3A_130 = arith.cmpi slt, %add3A_128, %lt3A_129 : i32
      %convert_element_type3A = arith.extui %lt3A_130 : i1 to i32
      %cond3A = arith.constant 0 : i32
      %cond3A_131 = arith.cmpi ne, %convert_element_type3A, %cond3A : i32
      scf.if %cond3A_131 {
        %add3A_148 = arith.constant 2 : i32
        %add3A_149 = arith.addi %mul3A_62, %add3A_148 : i32
        %mul3A_150 = arith.constant 16 : i32
        %mul3A_151 = arith.muli %add3A_149, %mul3A_150 : i32
        %add3A_152 = arith.addi %mul3A_32, %mul3A_151 : i32
        %dma_start3A_153 = arith.constant 0 : i32
        %dma_start3A_154 = tpu.memref_slice %arg2[%select_n3A, %add3A_152, %dma_start3A_153] : memref<4x8192x1024xf32, #tpu.memory_space<hbm>> -> memref<1x16x1024xf32, #tpu.memory_space<hbm>>
        %dma_start3A_155 = tpu.memref_squeeze %dma_start3A_154 : memref<1x16x1024xf32, #tpu.memory_space<hbm>> -> memref<16x1024xf32, #tpu.memory_space<hbm>>
        %dma_start3A_156 = arith.constant 0 : i32
        %dma_start3A_157 = tpu.memref_slice %arg2[%select_n3A, %add3A_152, %dma_start3A_156] : memref<4x8192x1024xf32, #tpu.memory_space<hbm>> -> memref<1x16x1024xf32, #tpu.memory_space<hbm>>
        %dma_start3A_158 = tpu.memref_squeeze %dma_start3A_157 : memref<1x16x1024xf32, #tpu.memory_space<hbm>> -> memref<16x1024xf32, #tpu.memory_space<hbm>>
        tpu.enqueue_dma source(%dma_start3A_158 : memref<16x1024xf32, #tpu.memory_space<hbm>>) target(%arg5 : memref<16x1024xf32, #tpu.memory_space<vmem>>) target_semaphore(%arg9 : memref<!tpu.dma_semaphore, #tpu.memory_space<semaphore_mem>>)
        %dma_start3A_159 = arith.constant 0 : i32
        %dma_start3A_160 = tpu.memref_slice %arg3[%add3A_152, %dma_start3A_159] : memref<8192x1024xf32, #tpu.memory_space<hbm>> -> memref<16x1024xf32, #tpu.memory_space<hbm>>
        %dma_start3A_161 = arith.constant 0 : i32
        %dma_start3A_162 = tpu.memref_slice %arg3[%add3A_152, %dma_start3A_161] : memref<8192x1024xf32, #tpu.memory_space<hbm>> -> memref<16x1024xf32, #tpu.memory_space<hbm>>
        tpu.enqueue_dma source(%dma_start3A_162 : memref<16x1024xf32, #tpu.memory_space<hbm>>) target(%arg6 : memref<16x1024xf32, #tpu.memory_space<vmem>>) target_semaphore(%arg9 : memref<!tpu.dma_semaphore, #tpu.memory_space<semaphore_mem>>)
      } else {
      }
      %mul3A_132 = arith.constant 16 : i32
      %mul3A_133 = arith.muli %add3A_64, %mul3A_132 : i32
      %add3A_134 = arith.addi %mul3A_32, %mul3A_133 : i32
      %dma_wait3A_135 = arith.constant 0 : i32
      %dma_wait3A_136 = tpu.memref_slice %arg4[%select_n3A, %add3A_134, %dma_wait3A_135] : memref<4x8192x1024xf32, #tpu.memory_space<hbm>> -> memref<1x16x1024xf32, #tpu.memory_space<hbm>>
      %dma_wait3A_137 = tpu.memref_squeeze %dma_wait3A_136 : memref<1x16x1024xf32, #tpu.memory_space<hbm>> -> memref<16x1024xf32, #tpu.memory_space<hbm>>
      %dma_wait3A_138 = arith.constant 0 : i32
      %dma_wait3A_139 = tpu.memref_slice %arg4[%select_n3A, %add3A_134, %dma_wait3A_138] : memref<4x8192x1024xf32, #tpu.memory_space<hbm>> -> memref<1x16x1024xf32, #tpu.memory_space<hbm>>
      %dma_wait3A_140 = tpu.memref_squeeze %dma_wait3A_139 : memref<1x16x1024xf32, #tpu.memory_space<hbm>> -> memref<16x1024xf32, #tpu.memory_space<hbm>>
      tpu.wait_dma2 semaphore(%arg12 : memref<!tpu.dma_semaphore, #tpu.memory_space<semaphore_mem>>) src(%arg7 : memref<16x1024xf32, #tpu.memory_space<vmem>>) dst(%dma_wait3A_140 : memref<16x1024xf32, #tpu.memory_space<hbm>>)
      %add3A_141 = arith.constant 1 : i32
      %add3A_142 = arith.addi %scan3A_60, %add3A_141 : i32
      %lt3A_143 = arith.constant 32 : i32
      %lt3A_144 = arith.cmpi slt, %add3A_142, %lt3A_143 : i32
      %convert_element_type3A_145 = arith.extui %lt3A_144 : i1 to i32
      %cond3A_146 = arith.constant 0 : i32
      %cond3A_147 = arith.cmpi ne, %convert_element_type3A_145, %cond3A_146 : i32
      scf.if %cond3A_147 {
        %add3A_148 = arith.constant 2 : i32
        %add3A_149 = arith.addi %add3A_64, %add3A_148 : i32
        %mul3A_150 = arith.constant 16 : i32
        %mul3A_151 = arith.muli %add3A_149, %mul3A_150 : i32
        %add3A_152 = arith.addi %mul3A_32, %mul3A_151 : i32
        %dma_start3A_153 = arith.constant 0 : i32
        %dma_start3A_154 = tpu.memref_slice %arg2[%select_n3A, %add3A_152, %dma_start3A_153] : memref<4x8192x1024xf32, #tpu.memory_space<hbm>> -> memref<1x16x1024xf32, #tpu.memory_space<hbm>>
        %dma_start3A_155 = tpu.memref_squeeze %dma_start3A_154 : memref<1x16x1024xf32, #tpu.memory_space<hbm>> -> memref<16x1024xf32, #tpu.memory_space<hbm>>
        %dma_start3A_156 = arith.constant 0 : i32
        %dma_start3A_157 = tpu.memref_slice %arg2[%select_n3A, %add3A_152, %dma_start3A_156] : memref<4x8192x1024xf32, #tpu.memory_space<hbm>> -> memref<1x16x1024xf32, #tpu.memory_space<hbm>>
        %dma_start3A_158 = tpu.memref_squeeze %dma_start3A_157 : memref<1x16x1024xf32, #tpu.memory_space<hbm>> -> memref<16x1024xf32, #tpu.memory_space<hbm>>
        tpu.enqueue_dma source(%dma_start3A_158 : memref<16x1024xf32, #tpu.memory_space<hbm>>) target(%arg7 : memref<16x1024xf32, #tpu.memory_space<vmem>>) target_semaphore(%arg10 : memref<!tpu.dma_semaphore, #tpu.memory_space<semaphore_mem>>)
        %dma_start3A_159 = arith.constant 0 : i32
        %dma_start3A_160 = tpu.memref_slice %arg3[%add3A_152, %dma_start3A_159] : memref<8192x1024xf32, #tpu.memory_space<hbm>> -> memref<16x1024xf32, #tpu.memory_space<hbm>>
        %dma_start3A_161 = arith.constant 0 : i32
        %dma_start3A_162 = tpu.memref_slice %arg3[%add3A_152, %dma_start3A_161] : memref<8192x1024xf32, #tpu.memory_space<hbm>> -> memref<16x1024xf32, #tpu.memory_space<hbm>>
        tpu.enqueue_dma source(%dma_start3A_162 : memref<16x1024xf32, #tpu.memory_space<hbm>>) target(%arg8 : memref<16x1024xf32, #tpu.memory_space<vmem>>) target_semaphore(%arg10 : memref<!tpu.dma_semaphore, #tpu.memory_space<semaphore_mem>>)
      } else {
      }
    }
    %scan3A_59 = arith.constant 32 : i32
    return
  }
}

</mosaic_0001>

<sc_bundles>
// kernel: kernel.3.cloned.1.call-start
scs
__scs_entry_jumppad:
0x0: {  	(pc) =	sbr.rel $0x88, $3  }
0x1: {  	(tag) =	ssettag $0x0;
	lr =	simm.s32 $0x1  }
0x2: {  	[smem:$0x3F9F] =	sst lr;
	_ =	strace $0xD0000000  }
0x3: {  	_ = 	snop  }
0x4: {  	_ = 	snop  }
0x5: {  	_ = 	snop  }
0x6: {  	_ = 	snop  }
0x7: {  	_ = 	snop  }
__scs_overlays_trampoline_lowered:
0x8: {  	[smem:$0x3FAE] =	sst s0  }
0x9: {  	[smem:$0x3FAF] =	sst s1  }
0xa: {  	[smem:$0x3FB0] =	sst s2  }
0xb: {  	[smem:$0x3FB1] =	sst s3  }
0xc: {  	[smem:$0x3FB2] =	sst s4  }
0xd: {  	[smem:$0x3FB3] =	sst s5  }
0xe: {  	[smem:$0x3FB4] =	sst s6  }
0xf: {  	[smem:$0x3FB5] =	sst s7  }
0x10: {  	[smem:$0x3FB6] =	sst s8  }
0x11: {  	[smem:$0x3FB7] =	sst s9;
	s0 =	simm.s32 @!p0 $0x0  }
0x12: {  	s1 =	sld [smem:$0x3F9D];
	s0 =	simm.s32 @p0 $0x1  }
0x13: {  	[smem:$0x3FB8] =	sst s0;
	s0 =	simm.s32 @!p1 $0x0  }
0x14: {  	s2 =	sld [smem:$0x3F9C];
	s0 =	simm.s32 @p1 $0x1  }
0x15: {  	[smem:$0x3FB9] =	sst s0;
	s0 =	simm.s32 @!p2 $0x0  }
0x16: {  	s3 =	sld [smem:$0x3FDB];
	s0 =	simm.s32 @p2 $0x1  }
0x17: {  	s4 =	simm.s32 $0x1BF5;
	[smem:$0x3FBB] =	sst s0  }
0x18: {  	s0 =	sld [smem:$0x3F9E];
	_ =	swait.ge [sflag:s4], $0x0  }
0x19: {  	s7 =	sld [smem:$0x3F9F]  }
0x1a: {  	s8 =	sadd.s32 $0xFFFFE003, lr  }
0x1b: {  	s9 =	sadd.s32 $0xFFFFFEF7, lr;
	s5 =	simm.s32 $0xFFFFFFFF;
	p2 =	slt.u32 s8, $0xFFFFF086  }
0x1c: {  	p1 =	slt.u32 s9, $0xF7A;
	s5 =	simm.s32 @!p2 $0x0  }
0x1d: {  	s5 =	simm.s32 @p1 $0x1;
	p0 =	seq.s32 s7, s2  }
0x1e: {  	s7 =	smul.u32 @!p0 $0xF7A, s2;
	p2 =	seq.s32 @!p0 s5, $0x0  }
0x1f: {  	s9 =	smul.u32 $0xF7A, s1;
	s8 =	simm.s32 @!p0 $0x1BF5;
	p2 =	por !p2, p0  }
0x20: {  	[sflag:s8] =	ssyncset.s32 @!p0 $0xFFFFF086;
	s6 =	sadd.s32 @!p0 s3, s7;
	s7 =	simm.s32 @!p0 $0x108  }
0x21: {  	s3 =	sadd.s32 s3, s9;
	s6 =	sadd.s32 @!p0 $0x88, s6;
	s7 =	simm.s32 @p2 $0x1082  }
0x22: {  	[simem:s7], [sflag:s8] =	dma.local @!p0 [hbm:s6], $0xF7A  }
0x23: {  	s9 =	sor.u32 $0xD0000000, s2;
	s6 =	simm.s32 $0x108;
	_ =	swait.ge @!p0 [sflag:s8], $0x0  }
0x24: {  	s3 =	sadd.s32 $0x88, s3;
	s6 =	simm.s32 @!p1 $0x1082;
	[sflag:s4] =	ssyncset.s32 $0xFFFFF086  }
0x25: {  	[simem:s6], [sflag:s4] =	dma.local [hbm:s3], $0xF7A  }
0x26: {  	[smem:$0x3F9F] =	sst s1;
	(tag) =	ssettag s2;
	_ =	strace s9  }
0x27: {  	s1 =	sld [smem:$0x3FAF]  }
0x28: {  	s2 =	sld [smem:$0x3FB0]  }
0x29: {  	s4 =	sld [smem:$0x3FB2]  }
0x2a: {  	p0 =	seq.s32 s5, $0x0;
	s5 =	sld [smem:$0x3FB3]  }
0x2b: {  	s6 =	sld [smem:$0x3FB4]  }
0x2c: {  	s7 =	sld [smem:$0x3FB5]  }
0x2d: {  	s3 =	simm.s32 $0x108;
	s8 =	sld [smem:$0x3FB6]  }
0x2e: {  	s3 =	simm.s32 @!p0 $0x1082;
	s9 =	sld [smem:$0x3FB7]  }
0x2f: {  	lr =	sadd.s32 s0, s3;
	s0 =	sld [smem:$0x3FAE]  }
0x30: {  	s3 =	sld [smem:$0x3FB1]  }
0x31: {  	[smem:$0x3FBA] =	sst s10  }
0x32: {  	s10 =	sld [smem:$0x3FB8];
	_ =	sdelay $0x3  }
0x33: {  	p0 =	seq.s32 s10, $0x1;
	s10 =	sld [smem:$0x3FBA];
	_ =	sdelay $0x3  }
0x34: {  	[smem:$0x3FBA] =	sst s10  }
0x35: {  	s10 =	sld [smem:$0x3FB9];
	_ =	sdelay $0x3  }
0x36: {  	p1 =	seq.s32 s10, $0x1;
	s10 =	sld [smem:$0x3FBA];
	_ =	sdelay $0x3  }
0x37: {  	[smem:$0x3FBA] =	sst s10  }
0x38: {  	s10 =	sld [smem:$0x3FBB]  }
0x39: {  	_ = 	snop;
	(pc) =	sbr.ind lr, $3  }
0x3a: {  	_ = 	snop  }
0x3b: {  	_ = 	snop  }
0x3c: {  	p2 =	seq.s32 s10, $0x1;
	s10 =	sld [smem:$0x3FBA]  }
0x3d: {  	_ =	shalt  }
0x3e: {  	_ =	shalt  }
0x3f: {  	_ =	shalt  }
0x40: {  	_ =	shalt  }
0x41: {  	_ =	shalt  }
0x42: {  	_ =	shalt  }
0x43: {  	_ =	shalt  }
0x44: {  	_ =	shalt  }
0x45: {  	_ =	shalt  }
0x46: {  	_ =	shalt  }
0x47: {  	_ =	shalt  }
0x48: {  	_ =	shalt  }
0x49: {  	_ =	shalt  }
0x4a: {  	_ =	shalt  }
0x4b: {  	_ =	shalt  }
0x4c: {  	_ =	shalt  }
0x4d: {  	_ =	shalt  }
0x4e: {  	_ =	shalt  }
0x4f: {  	_ =	shalt  }
0x50: {  	_ =	shalt  }
0x51: {  	_ =	shalt  }
0x52: {  	_ =	shalt  }
0x53: {  	_ =	shalt  }
0x54: {  	_ =	shalt  }
0x55: {  	_ =	shalt  }
0x56: {  	_ =	shalt  }
0x57: {  	_ =	shalt  }
0x58: {  	_ =	shalt  }
0x59: {  	_ =	shalt  }
0x5a: {  	_ =	shalt  }
0x5b: {  	_ =	shalt  }
0x5c: {  	_ =	shalt  }
0x5d: {  	_ =	shalt  }
0x5e: {  	_ =	shalt  }
0x5f: {  	_ =	shalt  }
0x60: {  	_ =	shalt  }
0x61: {  	_ =	shalt  }
0x62: {  	_ =	shalt  }
0x63: {  	_ =	shalt  }
0x64: {  	_ =	shalt  }
0x65: {  	_ =	shalt  }
0x66: {  	_ =	shalt  }
0x67: {  	_ =	shalt  }
0x68: {  	_ =	shalt  }
0x69: {  	_ =	shalt  }
0x6a: {  	_ =	shalt  }
0x6b: {  	_ =	shalt  }
0x6c: {  	_ =	shalt  }
0x6d: {  	_ =	shalt  }
0x6e: {  	_ =	shalt  }
0x6f: {  	_ =	shalt  }
0x70: {  	_ =	shalt  }
0x71: {  	_ =	shalt  }
0x72: {  	_ =	shalt  }
0x73: {  	_ =	shalt  }
0x74: {  	_ =	shalt  }
0x75: {  	_ =	shalt  }
0x76: {  	_ =	shalt  }
0x77: {  	_ =	shalt  }
0x78: {  	_ =	shalt  }
0x79: {  	_ =	shalt  }
0x7a: {  	_ =	shalt  }
0x7b: {  	_ =	shalt  }
0x7c: {  	_ =	shalt  }
0x7d: {  	_ =	shalt  }
0x7e: {  	_ =	shalt  }
0x7f: {  	_ =	shalt  }
0x80: {  	_ =	shalt  }
0x81: {  	_ =	shalt  }
0x82: {  	_ =	shalt  }
0x83: {  	_ =	shalt  }
0x84: {  	_ =	shalt  }
0x85: {  	_ =	shalt  }
0x86: {  	_ =	shalt  }
0x87: {  	_ =	shalt  }
.Lfunc_end0:
.L_simem_size_0:
called_computation_lowered:
.L_overlay_start_0:
0x88: {  	s2 =	sld [smem:$0x3FD9]  }
0x89: {  	s3 =	sld [smem:$0x3FFE];
	_ =	sdelay $0x1  }
0x8a: {  	s1 =	srdreg.scid  }
0x8b: {  	s0 =	sand.u32 $0x1, s1  }
0x8c: {  	s18 =	sshll.u32 s0, $0xA;
	s2 =	sadd.s32 s3, s2  }
0x8d: {  	s2 =	sadd.s32 s2, s18  }
0x8e: {  	[smem:$0x3FC6] =	sst s2  }
0x8f: {  	_ = 	snop  }
0x90: {  	s2 =	sld [smem:$0x3FC9]  }
0x91: {  	s19 =	sld [smem:$0x3FC8]  }
0x92: {  	s4 =	sld [smem:$0x3FD0];
	(tm) =	ssettm $0x1  }
0x93: {  	s5 =	sld [smem:$0x3FFB];
	_ =	sdelay $0x3  }
0x94: {  	_ =	strace s5  }
0x95: {  	s5 =	sld [smem:$0x3FFC];
	_ =	sdelay $0x3  }
0x96: {  	_ =	strace s5  }
0x97: {  	s5 =	sld [smem:$0x3FFD];
	_ =	sdelay $0x3  }
0x98: {  	_ =	strace s5  }
0x99: {  	_ =	strace $0x8FFFFFFF  }
0x9a: {  	s20 =	sld [smem:$0x3FDB];
	_ =	sdelay $0x1  }
0x9b: {  	s6 =	simm.s32 $_scs_section_size  }
0x9c: {  	s7 =	simm.s32 $_size__tile_overlayer_lowered;
	s8 =	simm.s32 $_tile_overlayer_lowered  }
0x9d: {  	s23 =	simm.s32 $0x1BFF;
	s22 =	sshll.u32 s8, $0x1;
	s5 =	sadd.s32 s6, s20  }
0x9e: {  	s9 =	simm.s32 $0x0;
	s21 =	sshll.u32 s7, $0x1;
	s7 =	sadd.s32 s22, s5  }
0x9f: {  	[timem:s9], [sflag:s23] =	dma.local [hbm:s7], s21  }
0xa0: {  	_ =	swait.ge [sflag:s23], s21  }
0xa1: {  	s6 =	ssub.s32 $0x0, s21;
	[sflag:s23] =	ssyncset.done $0x0  }
0xa2: {  	[sflag:s23] =	ssyncadd.s32 s6;
	_ =	sdelay $0x1  }
0xa3: {  	s24 =	simm.s32 $0x1B8B  }
0xa4: {  	_ =	swait.ge [sflag:s24], $0x1  }
0xa5: {  	[sflag:s24] =	ssyncset.done $0x0  }
0xa6: {  	s25 =	simm.s32 $0x1B8E;
	[sflag:s24] =	ssyncadd.s32 $0xFFFFFFFF  }
0xa7: {  	s26 =	simm.s32 $execute0_lowered;
	[smem:$0x3FD2] =	sst s25  }
0xa8: {  	s6 =	sshll.u32 s26, $0x1;
	_ =	strace $0x80000046;
	[dreg:$0x1] =	wrdreg $0xFFFFFFFF  }
0xa9: {  	s28 =	simm.s32 $_size_execute0_lowered;
	s5 =	sadd.s32 s5, s6;
	[dreg:$0x0] =	wrdreg $0x0  }
0xaa: {  	s6 =	sshll.u32 s28, $0x1;
	[dreg:$0x2] =	wrdreg s5  }
0xab: {  	[dreg:$0x3] =	wrdreg s6  }
0xac: {  	[dreg:$0x4] =	wrdreg $0xC0  }
0xad: {  	_ =	task [dreg:s9], $0x5FFFF  }
0xae: {  	[dreg:$0x1] =	wrdreg $0xFFFFFFFF  }
0xaf: {  	[dreg:$0x0] =	wrdreg $0x60  }
0xb0: {  	[dreg:$0x2] =	wrdreg s2  }
0xb1: {  	[dreg:$0x3] =	wrdreg s19  }
0xb2: {  	[dreg:$0x4] =	wrdreg s4  }
0xb3: {  	[dreg:$0x5] =	wrdreg $0x9  }
0xb4: {  	_ =	task.clear_ibuf [dreg:s9], $0x6FFFF;
	_ =	strace $0x90000046  }
0xb5: {  	s29 =	simm.s32 $0x9;
	_ =	strace $0x80000048  }
0xb6: {  	_ =	swait.ge [sflag:s29], $0x1  }
0xb7: {  	[sflag:s29] =	ssyncadd.s32 $0xFFFFFFFF  }
0xb8: {  	_ =	strace $0x90000048  }
0xb9: {  	_ =	sfence  }
0xba: {  	s30 =	sld [smem:$0x0];
	_ =	sdelay $0x2  }
0xbb: {  	s31 =	sshll.u32 s1, $0xD;
	s1 =	sshrl.u32 s1, $0x2  }
0xbc: {  	s3 =	sand.u32 $0x4000, s31;
	s1 =	sadd.s32 s1, s30  }
0xbd: {  	s0 =	sor.u32 s3, s0;
	s1 =	sshll.u32 s1, $0x11  }
0xbe: {  	s0 =	sor.u32 s1, s0  }
0xbf: {  	s0 =	sadd.s32 $0x8F2B, s0  }
0xc0: {  	[sflag:s0] =	ssyncadd.remote.s32 $0x1  }
0xc1: {  	_ =	sfence.sel $0xFFFF  }
0xc2: {  	[dreg:$0x0] =	wrdreg $0xFFFFFFFF;
	(pc) =	sbr.abs _section_cstart, $3  }
0xc3: {  	[dreg:$0x1] =	wrdreg $0xFFFFFFFF  }
0xc4: {  	_ =	task.clear_ibuf [dreg:s9], $0x2FFFF;
	_ =	strace $0x9FFFFFFF  }
0xc5: {  	(tm) =	ssettm $0x7FFFFFFF  }
tec
execute0_lowered:
.L_overlay_start_1:
0x0: {  	(tag) =	ssettag $0x1  }
0x1: {  	s1 =	rddreg [dreg:$0x0]  }
0x2: {  	s3 =	rddreg [dreg:$0x1]  }
0x3: {  	s4 =	rddreg [dreg:$0x2]  }
0x4: {  	s5 =	simm.s32 $0x0;
	s2 =	stileid.u32;
	s0 =	srdreg.scid  }
0x5: {  	s16 =	simm.s32 $0x4000;
	s17 =	simm.s32 $0x8000;
	s18 =	simm.s32 $0xC000  }
0x6: {  	s19 =	simm.s32 $0x1;
	s20 =	simm.s32 $0x2;
	s21 =	simm.s32 $0x3  }
0x7: {  	s22 =	simm.s32 $0x4;
	s23 =	simm.s32 $0x0;
	[smem:$0x7FF] =	sst s5  }
0x8: {  	s6 =	sshll.u32 s2, $0x1;
	s0 =	sand.u32 $0x1, s0;
	s29 =	sshll.u32 s2, $0x15  }
0x9: {  	_ =	strace $0x80000047;
	s6 =	sand.u32 $0x6, s6;
	s7 =	ssub.s32 $0x2, s0  }
0xa: {  	s0 =	sor.u32 s0, s6;
	s8 =	sshrl.u32 s7, $0x1;
	s6 =	sand.u32 $0x1800000, s29  }
0xb: {  	s9 =	sshll.u32 s0, $0x14;
	s15 =	ssub.s32 s7, s8;
	s8 =	sshll.u32 s0, $0xA  }
.Ltmp0:
0xc: {  	s0 =	sshll.u32 s0, $0x11;
	s7 =	sor.u32 s6, s9;
	(pc) =	sbr.rel .LBB2_1-.Ltmp0, $4  }
0xd: {  	s12 =	sor.u32 $0x4000, s9;
	s13 =	sor.u32 $0x20, s8;
	s14 =	sor.u32 $0x30, s8  }
0xe: {  	s15 =	smax.u32 s15, $0x1;
	s30 =	sshrl.u32 s7, $0x3;
	s10 =	sor.u32 s6, s12  }
0xf: {  	s31 =	sshrl.u32 s12, $0x3;
	s9 =	sadd.s32 s1, s30;
	s11 =	sshrl.u32 s10, $0x3  }
0x10: {  	s10 =	sadd.s32 s3, s0;
	s12 =	sadd.s32 s3, s31;
	s11 =	sadd.s32 s1, s11  }
.LBB2_11:
0x11: {  	_ =	swait.ge [sflag:s22], $0x4000  }
0x12: {  	[sflag:s22] =	ssyncset.done $0x0  }
0x13: {  	[sflag:s22] =	ssyncadd.s32 $0xFFFFC000  }
.LBB2_13:
0x14: {  	s23 =	sadd.s32 $0x1, s23  }
0x15: {  	p0 =	sne.s32 s23, s15  }
.Ltmp1:
0x16: {  	_ = 	snop;
	(pc) =	sbr.rel @!p0 .LBB2_14-.Ltmp1, $1  }
0x17: {  	_ =	sdelay $0x3  }
.LBB2_1:
0x18: {  	[tilespmem:s5], [sflag:$0x1] =	stream.linear.gather [hbm4b:s9+s5], $0x4000, $0x38;
	[tilespmem:$0x10000] =	vst v63  }
0x19: {  	_ = 	snop  }
0x1a: {  	[tilespmem:s16], [sflag:$0x1] =	stream.linear.gather [hbm4b:s10+s5], $0x4000, $0x38;
	[tilespmem:$0x10000] =	vst v63  }
0x1b: {  	_ = 	snop  }
0x1c: {  	[tilespmem:s17], [sflag:$0x2] =	stream.linear.gather [hbm4b:s11+s5], $0x4000, $0x38;
	[tilespmem:$0x10000] =	vst v63  }
0x1d: {  	s24 =	simm.s32 $0x0  }
0x1e: {  	[tilespmem:s18], [sflag:$0x2] =	stream.linear.gather [hbm4b:s12+s5], $0x4000, $0x38;
	[tilespmem:$0x10000] =	vst v63  }
.LBB2_2:
0x1f: {  	_ =	swait.ge [sflag:s19], $0x4000  }
0x20: {  	[sflag:s19] =	ssyncset.done $0x0  }
0x21: {  	[sflag:s19] =	ssyncadd.s32 $0xFFFFC000  }
0x22: {  	_ =	swait.ge [sflag:s19], $0x4000  }
0x23: {  	s25 =	simm.s32 $0x0;
	[sflag:s19] =	ssyncset.done $0x0  }
0x24: {  	s26 =	simm.s32 $0x0;
	s28 =	simm.s32 $0x0;
	[sflag:s19] =	ssyncadd.s32 $0xFFFFC000  }
.LBB2_3:
0x25: {  	s0 =	sshll.u32 s26, $0x2;
	s29 =	sand.u32 $0x7, s25  }
0x26: {  	s0 =	sand.u32 $0xFFFF8000, s0;
	s29 =	sshll.u32 s29, $0x9  }
0x27: {  	s0 =	sor.u32 s29, s0  }
0x28: {  	s29 =	sshrl.u32 s0, $0x2  }
0x29: {  	s0 =	sadd.s32 $0x4400, s29  }
0x2a: {  	v0 =	vld [tilespmem:s0+$0x70]  }
0x2b: {  	s29 =	sor.u32 $0x400, s29;
	v1 =	vld [tilespmem:s0+$0xFFFFFC00]  }
0x2c: {  	v2 =	vld [tilespmem:s29+$0x70]  }
0x2d: {  	v3 =	vld [tilespmem:s0+$0xFFFFFC10]  }
0x2e: {  	v4 =	vld [tilespmem:s0+$0xFFFFFC20]  }
0x2f: {  	v5 =	vld [tilespmem:s0+$0xFFFFFC30]  }
0x30: {  	v6 =	vld [tilespmem:s0+$0xFFFFFC40]  }
0x31: {  	v7 =	vld [tilespmem:s0+$0xFFFFFC50]  }
0x32: {  	v8 =	vld [tilespmem:s0+$0xFFFFFC60]  }
0x33: {  	v9 =	vld [tilespmem:s0+$0xFFFFFC70]  }
0x34: {  	v10 =	vld [tilespmem:s0+$0x0]  }
0x35: {  	v11 =	vld [tilespmem:s0+$0x10]  }
0x36: {  	v12 =	vld [tilespmem:s0+$0x20]  }
0x37: {  	v13 =	vld [tilespmem:s0+$0x30]  }
0x38: {  	v14 =	vld [tilespmem:s0+$0x40]  }
0x39: {  	v15 =	vld [tilespmem:s0+$0x50]  }
0x3a: {  	v16 =	vld [tilespmem:s0+$0x60]  }
0x3b: {  	v17 =	vld [tilespmem:s29+$0xFFFFFC10]  }
0x3c: {  	v18 =	vld [tilespmem:s29+$0xFFFFFC20]  }
0x3d: {  	v19 =	vld [tilespmem:s29+$0xFFFFFC30];
	v0 =	vmul.f32 $3.200000000e+01, v0  }
0x3e: {  	v20 =	vld [tilespmem:s29+$0xFFFFFC40];
	v3 =	vmul.f32 $3.200000000e+01, v3  }
0x3f: {  	v0 =	vadd.f32 v0, v2;
	v2 =	vmul.f32 $3.200000000e+01, v4;
	v4 =	vld [tilespmem:s29+$0xFFFFFC50]  }
0x40: {  	v59 =	vld [tilespmem:s29+$0xFFFFFC60];
	v5 =	vmul.f32 $3.200000000e+01, v5;
	v3 =	vadd.f32 v3, v17  }
0x41: {  	[tilespmem:s29+$0x70] =	vst v0;
	v0 =	vmul.f32 $3.200000000e+01, v6;
	v2 =	vadd.f32 v2, v18;
	v6 =	vld [tilespmem:s29+$0xFFFFFC70]  }
0x42: {  	v60 =	vld [tilespmem:s29+$0x0];
	v7 =	vmul.f32 $3.200000000e+01, v7;
	[tilespmem:s29+$0xFFFFFC10] =	vst v3;
	v3 =	vadd.f32 v5, v19  }
0x43: {  	v61 =	vld [tilespmem:s29+$0x10];
	v5 =	vmul.f32 $3.200000000e+01, v8;
	[tilespmem:s29+$0xFFFFFC20] =	vst v2;
	v0 =	vadd.f32 v0, v20  }
0x44: {  	v62 =	vld [tilespmem:s29+$0x20];
	v2 =	vmul.f32 $3.200000000e+01, v9;
	[tilespmem:s29+$0xFFFFFC30] =	vst v3;
	v3 =	vadd.f32 v7, v4  }
0x45: {  	v4 =	vmul.f32 $3.200000000e+01, v10;
	v7 =	vadd.f32 v5, v59;
	v5 =	vld [tilespmem:s29+$0x30];
	[tilespmem:s29+$0xFFFFFC40] =	vst v0  }
0x46: {  	v9 =	vmul.f32 $3.200000000e+01, v11;
	[tilespmem:s29+$0xFFFFFC50] =	vst v3;
	v2 =	vadd.f32 v2, v6;
	v6 =	vld [tilespmem:s29+$0x40]  }
0x47: {  	v11 =	vmul.f32 $3.200000000e+01, v12;
	v0 =	vmul.f32 $3.200000000e+01, v1;
	[tilespmem:s29+$0xFFFFFC60] =	vst v7;
	v63 =	vadd.f32 v4, v60;
	v7 =	vld [tilespmem:s29+$0x50]  }
0x48: {  	v8 =	vld [tilespmem:s29+$0x60];
	v1 =	vmul.f32 $3.200000000e+01, v15;
	v10 =	vadd.f32 v9, v61;
	v3 =	vmul.f32 $3.200000000e+01, v13;
	[tilespmem:s29+$0xFFFFFC70] =	vst v2  }
0x49: {  	s31 =	simm.s32 $0x0;
	s0 =	sadd.s32 $0x800, s0;
	s30 =	smov.u32 s29;
	v9 =	vld [tilespmem:s29+$0xFFFFFC00];
	v11 =	vadd.f32 v11, v62;
	v4 =	vmul.f32 $3.200000000e+01, v14;
	v2 =	vmul.f32 $3.200000000e+01, v16;
	[tilespmem:s29+$0x0] =	vst v63  }
.LBB2_4:
0x4a: {  	v12 =	vld [tilespmem:s0+$0x70];
	s31 =	sadd.s32 $0x10, s31;
	[tilespmem:s29+$0x10] =	vst v10;
	v3 =	vadd.f32 v3, v5  }
0x4b: {  	s29 =	sadd.s32 $0x800, s29;
	v5 =	vld [tilespmem:s0+$0xFFFFFC00];
	p0 =	slt.u32 s31, $0x30;
	[tilespmem:s30+$0x20] =	vst v11;
	v4 =	vadd.f32 v4, v6  }
0x4c: {  	v6 =	vld [tilespmem:s29+$0x70];
	[tilespmem:s30+$0x30] =	vst v3;
	v1 =	vadd.f32 v1, v7  }
0x4d: {  	v3 =	vld [tilespmem:s0+$0xFFFFFC10];
	[tilespmem:s30+$0x40] =	vst v4;
	v2 =	vadd.f32 v2, v8  }
0x4e: {  	v4 =	vld [tilespmem:s0+$0xFFFFFC20];
	v7 =	vadd.f32 v0, v9;
	[tilespmem:s30+$0x50] =	vst v1  }
0x4f: {  	v1 =	vld [tilespmem:s0+$0xFFFFFC30];
	v8 =	vmul.f32 $3.200000000e+01, v12;
	[tilespmem:s30+$0x60] =	vst v2  }
0x50: {  	v0 =	vmul.f32 $3.200000000e+01, v5;
	v2 =	vld [tilespmem:s0+$0xFFFFFC40];
	[tilespmem:s30+$0xFFFFFC00] =	vst v7;
	s30 =	smov.u32 s29  }
0x51: {  	v5 =	vld [tilespmem:s0+$0xFFFFFC50];
	v6 =	vadd.f32 v8, v6  }
0x52: {  	v7 =	vmul.f32 $3.200000000e+01, v3;
	v3 =	vld [tilespmem:s0+$0xFFFFFC60]  }
0x53: {  	v8 =	vmul.f32 $3.200000000e+01, v4;
	v4 =	vld [tilespmem:s0+$0xFFFFFC70];
	[tilespmem:s29+$0x70] =	vst v6  }
0x54: {  	v6 =	vmul.f32 $3.200000000e+01, v1;
	v1 =	vld [tilespmem:s0+$0x0]  }
0x55: {  	v9 =	vmul.f32 $3.200000000e+01, v2;
	v2 =	vld [tilespmem:s0+$0x10]  }
0x56: {  	v5 =	vmul.f32 $3.200000000e+01, v5;
	v10 =	vld [tilespmem:s0+$0x20]  }
0x57: {  	v11 =	vmul.f32 $3.200000000e+01, v3;
	v3 =	vld [tilespmem:s0+$0x30]  }
0x58: {  	v12 =	vmul.f32 $3.200000000e+01, v4;
	v4 =	vld [tilespmem:s0+$0x40]  }
0x59: {  	v13 =	vmul.f32 $3.200000000e+01, v1;
	v1 =	vld [tilespmem:s0+$0x50]  }
0x5a: {  	v14 =	vmul.f32 $3.200000000e+01, v2;
	v2 =	vld [tilespmem:s0+$0x60]  }
0x5b: {  	v15 =	vld [tilespmem:s29+$0xFFFFFC10];
	v16 =	vmul.f32 $3.200000000e+01, v10  }
0x5c: {  	v10 =	vld [tilespmem:s29+$0xFFFFFC20];
	v3 =	vmul.f32 $3.200000000e+01, v3  }
0x5d: {  	v17 =	vld [tilespmem:s29+$0xFFFFFC30];
	v4 =	vmul.f32 $3.200000000e+01, v4  }
0x5e: {  	v18 =	vld [tilespmem:s29+$0xFFFFFC40];
	v1 =	vmul.f32 $3.200000000e+01, v1  }
0x5f: {  	v19 =	vld [tilespmem:s29+$0xFFFFFC50];
	v2 =	vmul.f32 $3.200000000e+01, v2  }
0x60: {  	v7 =	vadd.f32 v7, v15;
	v15 =	vld [tilespmem:s29+$0xFFFFFC60]  }
0x61: {  	v8 =	vadd.f32 v8, v10;
	v10 =	vld [tilespmem:s29+$0xFFFFFC70]  }
0x62: {  	[tilespmem:s29+$0xFFFFFC10] =	vst v7;
	v6 =	vadd.f32 v6, v17;
	v7 =	vld [tilespmem:s29+$0x0]  }
0x63: {  	[tilespmem:s29+$0xFFFFFC20] =	vst v8;
	v8 =	vadd.f32 v9, v18;
	v9 =	vld [tilespmem:s29+$0x10]  }
0x64: {  	[tilespmem:s29+$0xFFFFFC30] =	vst v6;
	v6 =	vadd.f32 v5, v19;
	v17 =	vld [tilespmem:s29+$0x20]  }
.Ltmp2:
0x65: {  	[tilespmem:s29+$0xFFFFFC40] =	vst v8;
	v8 =	vadd.f32 v11, v15;
	v5 =	vld [tilespmem:s29+$0x30];
	(pc) =	sbr.rel @p0 .LBB2_4-.Ltmp2, $4  }
0x66: {  	[tilespmem:s29+$0xFFFFFC50] =	vst v6;
	v10 =	vadd.f32 v12, v10;
	v6 =	vld [tilespmem:s29+$0x40]  }
0x67: {  	[tilespmem:s29+$0xFFFFFC60] =	vst v8;
	v11 =	vadd.f32 v13, v7;
	v7 =	vld [tilespmem:s29+$0x50]  }
0x68: {  	[tilespmem:s29+$0xFFFFFC70] =	vst v10;
	v10 =	vadd.f32 v14, v9;
	v8 =	vld [tilespmem:s29+$0x60]  }
0x69: {  	s0 =	sadd.s32 $0x800, s0;
	v9 =	vld [tilespmem:s29+$0xFFFFFC00];
	[tilespmem:s29+$0x0] =	vst v11;
	v11 =	vadd.f32 v16, v17  }
0x6a: {  	[tilespmem:s29+$0x10] =	vst v10;
	v3 =	vadd.f32 v3, v5;
	s28 =	sadd.s32 $0x1, s28  }
0x6b: {  	[tilespmem:s30+$0x20] =	vst v11;
	v4 =	vadd.f32 v4, v6;
	p0 =	sne.s32 s28, $0x10  }
.Ltmp3:
0x6c: {  	[tilespmem:s30+$0x30] =	vst v3;
	v1 =	vadd.f32 v1, v7;
	(pc) =	sbr.rel @p0 .LBB2_3-.Ltmp3, $4  }
0x6d: {  	[tilespmem:s30+$0x40] =	vst v4;
	v2 =	vadd.f32 v2, v8  }
0x6e: {  	v0 =	vadd.f32 v0, v9;
	[tilespmem:s30+$0x50] =	vst v1  }
0x6f: {  	[tilespmem:s30+$0x60] =	vst v2  }
0x70: {  	s26 =	sadd.s32 $0x400, s26;
	s25 =	sadd.s32 $0x1, s25;
	[tilespmem:s30+$0xFFFFFC00] =	vst v0  }
0x71: {  	s0 =	sshll.u32 s24, $0xF  }
0x72: {  	s0 =	sadd.s32 s7, s0  }
0x73: {  	s0 =	sshrl.u32 s0, $0x3  }
0x74: {  	s25 =	simm.s32 $0x0;
	s0 =	sadd.s32 s4, s0  }
0x75: {  	[hbm4b:s0+s25] =	stream.linear.scatter [tilespmem:s25], [sflag:$0x3], $0x4000, $0x38;
	[tilespmem:$0x10000] =	vst v63  }
0x76: {  	_ =	swait.ge [sflag:s20], $0x4000  }
0x77: {  	[sflag:s20] =	ssyncset.done $0x0  }
0x78: {  	[sflag:s20] =	ssyncadd.s32 $0xFFFFC000  }
0x79: {  	_ =	swait.ge [sflag:s20], $0x4000  }
0x7a: {  	[sflag:s20] =	ssyncset.done $0x0  }
0x7b: {  	s26 =	simm.s32 $0x0;
	s28 =	simm.s32 $0x0;
	[sflag:s20] =	ssyncadd.s32 $0xFFFFC000  }
.LBB2_7:
0x7c: {  	s0 =	sshll.u32 s26, $0x2;
	s29 =	sand.u32 $0x7, s25  }
0x7d: {  	s0 =	sand.u32 $0xFFFF8000, s0;
	s29 =	sshll.u32 s29, $0x9  }
0x7e: {  	s0 =	sor.u32 s29, s0  }
0x7f: {  	s29 =	sshrl.u32 s0, $0x2  }
0x80: {  	s0 =	sadd.s32 $0xC400, s29  }
0x81: {  	v0 =	vld [tilespmem:s0+$0x70]  }
0x82: {  	s29 =	sadd.s32 $0x8400, s29;
	v1 =	vld [tilespmem:s0+$0xFFFFFC00]  }
0x83: {  	v2 =	vld [tilespmem:s29+$0x70]  }
0x84: {  	v3 =	vld [tilespmem:s0+$0xFFFFFC10]  }
0x85: {  	v4 =	vld [tilespmem:s0+$0xFFFFFC20]  }
0x86: {  	v5 =	vld [tilespmem:s0+$0xFFFFFC30]  }
0x87: {  	v6 =	vld [tilespmem:s0+$0xFFFFFC40]  }
0x88: {  	v7 =	vld [tilespmem:s0+$0xFFFFFC50]  }
0x89: {  	v8 =	vld [tilespmem:s0+$0xFFFFFC60]  }
0x8a: {  	v9 =	vld [tilespmem:s0+$0xFFFFFC70]  }
0x8b: {  	v10 =	vld [tilespmem:s0+$0x0]  }
0x8c: {  	v11 =	vld [tilespmem:s0+$0x10]  }
0x8d: {  	v12 =	vld [tilespmem:s0+$0x20]  }
0x8e: {  	v13 =	vld [tilespmem:s0+$0x30]  }
0x8f: {  	v14 =	vld [tilespmem:s0+$0x40]  }
0x90: {  	v15 =	vld [tilespmem:s0+$0x50]  }
0x91: {  	v16 =	vld [tilespmem:s0+$0x60]  }
0x92: {  	v17 =	vld [tilespmem:s29+$0xFFFFFC10]  }
0x93: {  	v18 =	vld [tilespmem:s29+$0xFFFFFC20]  }
0x94: {  	v19 =	vld [tilespmem:s29+$0xFFFFFC30];
	v0 =	vmul.f32 $3.200000000e+01, v0  }
0x95: {  	v20 =	vld [tilespmem:s29+$0xFFFFFC40];
	v3 =	vmul.f32 $3.200000000e+01, v3  }
0x96: {  	v0 =	vadd.f32 v0, v2;
	v2 =	vmul.f32 $3.200000000e+01, v4;
	v4 =	vld [tilespmem:s29+$0xFFFFFC50]  }
0x97: {  	v59 =	vld [tilespmem:s29+$0xFFFFFC60];
	v5 =	vmul.f32 $3.200000000e+01, v5;
	v3 =	vadd.f32 v3, v17  }
0x98: {  	[tilespmem:s29+$0x70] =	vst v0;
	v0 =	vmul.f32 $3.200000000e+01, v6;
	v2 =	vadd.f32 v2, v18;
	v6 =	vld [tilespmem:s29+$0xFFFFFC70]  }
0x99: {  	v60 =	vld [tilespmem:s29+$0x0];
	v7 =	vmul.f32 $3.200000000e+01, v7;
	[tilespmem:s29+$0xFFFFFC10] =	vst v3;
	v3 =	vadd.f32 v5, v19  }
0x9a: {  	v61 =	vld [tilespmem:s29+$0x10];
	v5 =	vmul.f32 $3.200000000e+01, v8;
	[tilespmem:s29+$0xFFFFFC20] =	vst v2;
	v0 =	vadd.f32 v0, v20  }
0x9b: {  	v62 =	vld [tilespmem:s29+$0x20];
	v2 =	vmul.f32 $3.200000000e+01, v9;
	[tilespmem:s29+$0xFFFFFC30] =	vst v3;
	v3 =	vadd.f32 v7, v4  }
0x9c: {  	v4 =	vmul.f32 $3.200000000e+01, v10;
	v7 =	vadd.f32 v5, v59;
	v5 =	vld [tilespmem:s29+$0x30];
	[tilespmem:s29+$0xFFFFFC40] =	vst v0  }
0x9d: {  	v9 =	vmul.f32 $3.200000000e+01, v11;
	[tilespmem:s29+$0xFFFFFC50] =	vst v3;
	v2 =	vadd.f32 v2, v6;
	v6 =	vld [tilespmem:s29+$0x40]  }
0x9e: {  	v11 =	vmul.f32 $3.200000000e+01, v12;
	v0 =	vmul.f32 $3.200000000e+01, v1;
	[tilespmem:s29+$0xFFFFFC60] =	vst v7;
	v63 =	vadd.f32 v4, v60;
	v7 =	vld [tilespmem:s29+$0x50]  }
0x9f: {  	v8 =	vld [tilespmem:s29+$0x60];
	v1 =	vmul.f32 $3.200000000e+01, v15;
	v10 =	vadd.f32 v9, v61;
	v3 =	vmul.f32 $3.200000000e+01, v13;
	[tilespmem:s29+$0xFFFFFC70] =	vst v2  }
0xa0: {  	s31 =	simm.s32 $0x0;
	s0 =	sadd.s32 $0x800, s0;
	s30 =	smov.u32 s29;
	v9 =	vld [tilespmem:s29+$0xFFFFFC00];
	v11 =	vadd.f32 v11, v62;
	v4 =	vmul.f32 $3.200000000e+01, v14;
	v2 =	vmul.f32 $3.200000000e+01, v16;
	[tilespmem:s29+$0x0] =	vst v63  }
.LBB2_8:
0xa1: {  	v12 =	vld [tilespmem:s0+$0x70];
	s31 =	sadd.s32 $0x10, s31;
	[tilespmem:s29+$0x10] =	vst v10;
	v3 =	vadd.f32 v3, v5  }
0xa2: {  	s29 =	sadd.s32 $0x800, s29;
	v5 =	vld [tilespmem:s0+$0xFFFFFC00];
	p0 =	slt.u32 s31, $0x30;
	[tilespmem:s30+$0x20] =	vst v11;
	v4 =	vadd.f32 v4, v6  }
0xa3: {  	v6 =	vld [tilespmem:s29+$0x70];
	[tilespmem:s30+$0x30] =	vst v3;
	v1 =	vadd.f32 v1, v7  }
0xa4: {  	v3 =	vld [tilespmem:s0+$0xFFFFFC10];
	[tilespmem:s30+$0x40] =	vst v4;
	v2 =	vadd.f32 v2, v8  }
0xa5: {  	v4 =	vld [tilespmem:s0+$0xFFFFFC20];
	v7 =	vadd.f32 v0, v9;
	[tilespmem:s30+$0x50] =	vst v1  }
0xa6: {  	v1 =	vld [tilespmem:s0+$0xFFFFFC30];
	v8 =	vmul.f32 $3.200000000e+01, v12;
	[tilespmem:s30+$0x60] =	vst v2  }
0xa7: {  	v0 =	vmul.f32 $3.200000000e+01, v5;
	v2 =	vld [tilespmem:s0+$0xFFFFFC40];
	[tilespmem:s30+$0xFFFFFC00] =	vst v7;
	s30 =	smov.u32 s29  }
0xa8: {  	v5 =	vld [tilespmem:s0+$0xFFFFFC50];
	v6 =	vadd.f32 v8, v6  }
0xa9: {  	v7 =	vmul.f32 $3.200000000e+01, v3;
	v3 =	vld [tilespmem:s0+$0xFFFFFC60]  }
0xaa: {  	v8 =	vmul.f32 $3.200000000e+01, v4;
	v4 =	vld [tilespmem:s0+$0xFFFFFC70];
	[tilespmem:s29+$0x70] =	vst v6  }
0xab: {  	v6 =	vmul.f32 $3.200000000e+01, v1;
	v1 =	vld [tilespmem:s0+$0x0]  }
0xac: {  	v9 =	vmul.f32 $3.200000000e+01, v2;
	v2 =	vld [tilespmem:s0+$0x10]  }
0xad: {  	v5 =	vmul.f32 $3.200000000e+01, v5;
	v10 =	vld [tilespmem:s0+$0x20]  }
0xae: {  	v11 =	vmul.f32 $3.200000000e+01, v3;
	v3 =	vld [tilespmem:s0+$0x30]  }
0xaf: {  	v12 =	vmul.f32 $3.200000000e+01, v4;
	v4 =	vld [tilespmem:s0+$0x40]  }
0xb0: {  	v13 =	vmul.f32 $3.200000000e+01, v1;
	v1 =	vld [tilespmem:s0+$0x50]  }
0xb1: {  	v14 =	vmul.f32 $3.200000000e+01, v2;
	v2 =	vld [tilespmem:s0+$0x60]  }
0xb2: {  	v15 =	vld [tilespmem:s29+$0xFFFFFC10];
	v16 =	vmul.f32 $3.200000000e+01, v10  }
0xb3: {  	v10 =	vld [tilespmem:s29+$0xFFFFFC20];
	v3 =	vmul.f32 $3.200000000e+01, v3  }
0xb4: {  	v17 =	vld [tilespmem:s29+$0xFFFFFC30];
	v4 =	vmul.f32 $3.200000000e+01, v4  }
0xb5: {  	v18 =	vld [tilespmem:s29+$0xFFFFFC40];
	v1 =	vmul.f32 $3.200000000e+01, v1  }
0xb6: {  	v19 =	vld [tilespmem:s29+$0xFFFFFC50];
	v2 =	vmul.f32 $3.200000000e+01, v2  }
0xb7: {  	v7 =	vadd.f32 v7, v15;
	v15 =	vld [tilespmem:s29+$0xFFFFFC60]  }
0xb8: {  	v8 =	vadd.f32 v8, v10;
	v10 =	vld [tilespmem:s29+$0xFFFFFC70]  }
0xb9: {  	[tilespmem:s29+$0xFFFFFC10] =	vst v7;
	v6 =	vadd.f32 v6, v17;
	v7 =	vld [tilespmem:s29+$0x0]  }
0xba: {  	[tilespmem:s29+$0xFFFFFC20] =	vst v8;
	v8 =	vadd.f32 v9, v18;
	v9 =	vld [tilespmem:s29+$0x10]  }
0xbb: {  	[tilespmem:s29+$0xFFFFFC30] =	vst v6;
	v6 =	vadd.f32 v5, v19;
	v17 =	vld [tilespmem:s29+$0x20]  }
.Ltmp4:
0xbc: {  	[tilespmem:s29+$0xFFFFFC40] =	vst v8;
	v8 =	vadd.f32 v11, v15;
	v5 =	vld [tilespmem:s29+$0x30];
	(pc) =	sbr.rel @p0 .LBB2_8-.Ltmp4, $4  }
0xbd: {  	[tilespmem:s29+$0xFFFFFC50] =	vst v6;
	v10 =	vadd.f32 v12, v10;
	v6 =	vld [tilespmem:s29+$0x40]  }
0xbe: {  	[tilespmem:s29+$0xFFFFFC60] =	vst v8;
	v11 =	vadd.f32 v13, v7;
	v7 =	vld [tilespmem:s29+$0x50]  }
0xbf: {  	[tilespmem:s29+$0xFFFFFC70] =	vst v10;
	v10 =	vadd.f32 v14, v9;
	v8 =	vld [tilespmem:s29+$0x60]  }
0xc0: {  	s0 =	sadd.s32 $0x800, s0;
	v9 =	vld [tilespmem:s29+$0xFFFFFC00];
	[tilespmem:s29+$0x0] =	vst v11;
	v11 =	vadd.f32 v16, v17  }
0xc1: {  	[tilespmem:s29+$0x10] =	vst v10;
	v3 =	vadd.f32 v3, v5;
	s28 =	sadd.s32 $0x1, s28  }
0xc2: {  	[tilespmem:s30+$0x20] =	vst v11;
	v4 =	vadd.f32 v4, v6;
	p0 =	sne.s32 s28, $0x10  }
.Ltmp5:
0xc3: {  	[tilespmem:s30+$0x30] =	vst v3;
	v1 =	vadd.f32 v1, v7;
	(pc) =	sbr.rel @p0 .LBB2_7-.Ltmp5, $4  }
0xc4: {  	[tilespmem:s30+$0x40] =	vst v4;
	v2 =	vadd.f32 v2, v8  }
0xc5: {  	v0 =	vadd.f32 v0, v9;
	[tilespmem:s30+$0x50] =	vst v1  }
0xc6: {  	[tilespmem:s30+$0x60] =	vst v2  }
0xc7: {  	s26 =	sadd.s32 $0x400, s26;
	s25 =	sadd.s32 $0x1, s25;
	[tilespmem:s30+$0xFFFFFC00] =	vst v0  }
0xc8: {  	s0 =	sshll.u32 s24, $0x5  }
0xc9: {  	s25 =	sadd.s32 s0, s8  }
0xca: {  	s25 =	sshll.u32 s25, $0xA  }
0xcb: {  	s25 =	sadd.s32 s6, s25  }
0xcc: {  	s25 =	sadd.s32 $0x4000, s25  }
0xcd: {  	p0 =	sne.s32 s24, $0x1F;
	s25 =	sshrl.u32 s25, $0x3  }
.Ltmp6:
0xce: {  	s25 =	sadd.s32 s4, s25;
	(pc) =	sbr.rel @!p0 .LBB2_11-.Ltmp6, $4  }
0xcf: {  	[hbm4b:s25+s5] =	stream.linear.scatter [tilespmem:s17], [sflag:$0x4], $0x4000, $0x38;
	[tilespmem:$0x10000] =	vst v63  }
0xd0: {  	_ =	swait.ge [sflag:s21], $0x4000  }
0xd1: {  	[sflag:s21] =	ssyncset.done $0x0  }
0xd2: {  	[sflag:s21] =	ssyncadd.s32 $0xFFFFC000  }
0xd3: {  	s25 =	sadd.s32 s0, s13  }
0xd4: {  	s26 =	sshll.u32 s25, $0xA  }
0xd5: {  	s26 =	sadd.s32 s6, s26  }
0xd6: {  	s30 =	sadd.s32 s0, s14;
	s26 =	sshrl.u32 s26, $0x3  }
0xd7: {  	s24 =	sadd.s32 $0x1, s24;
	s25 =	sshll.u32 s25, $0x7;
	s26 =	sadd.s32 s1, s26  }
0xd8: {  	[tilespmem:s5], [sflag:$0x1] =	stream.linear.gather [hbm4b:s26+s5], $0x4000, $0x38;
	[tilespmem:$0x10000] =	vst v63  }
0xd9: {  	s31 =	sshll.u32 s30, $0xA;
	s0 =	sshll.u32 s30, $0x7;
	s25 =	sadd.s32 s3, s25  }
0xda: {  	[tilespmem:s16], [sflag:$0x1] =	stream.linear.gather [hbm4b:s25+s5], $0x4000, $0x38;
	[tilespmem:$0x10000] =	vst v63  }
0xdb: {  	p0 =	sne.s32 s24, $0x20;
	s25 =	sadd.s32 s6, s31;
	_ =	swait.ge [sflag:s22], $0x4000  }
.Ltmp7:
0xdc: {  	s25 =	sshrl.u32 s25, $0x3;
	[sflag:s22] =	ssyncset.done $0x0;
	(pc) =	sbr.rel @p0 .LBB2_2-.Ltmp7, $4  }
.Ltmp8:
0xdd: {  	s25 =	sadd.s32 s1, s25;
	[sflag:s22] =	ssyncadd.s32 $0xFFFFC000;
	(pc) =	sbr.rel @!p0 .LBB2_13-.Ltmp8, $4  }
0xde: {  	[tilespmem:s17], [sflag:$0x2] =	stream.linear.gather [hbm4b:s25+s5], $0x4000, $0x38;
	[tilespmem:$0x10000] =	vst v63  }
0xdf: {  	s0 =	sadd.s32 s3, s0  }
0xe0: {  	[tilespmem:s18], [sflag:$0x2] =	stream.linear.gather [hbm4b:s0+s5], $0x4000, $0x38;
	[tilespmem:$0x10000] =	vst v63  }
0xe1: {  	_ = 	snop  }
.LBB2_14:
0xe2: {  	_ =	sfence.sel $0x180000  }
0xe3: {  	[bflag:$0x0] =	sbarrier.arrive $0xFFFF  }
0xe4: {  	_ =	strace $0x90000047  }
0xe5: {  	[bflag:$0x2] =	sbarrier.arrive $0xFFFF  }
0xe6: {  	p0 =	sne.s32 s2, $0x0;
	s0 =	rddreg [dreg:$0x3]  }
0xe7: {  	s0 =	sadd.s32 @!p0 $0x100000, s0  }
0xe8: {  	[sflag:s0] =	ssyncadd.tile.s32 @!p0 $0x1;
	_ =	shalt  }
.Lfunc_end2:
_tile_overlayer_lowered:
.L_overlay_start_2:
0xe9: {  	(tag) =	ssettag $0x2  }
0xea: {  	s0 =	rddreg [dreg:$0x0];
	s2 =	stileid.u32  }
0xeb: {  	s1 =	rddreg [dreg:$0x1];
	p0 =	sne.s32 s2, $0x0  }
0xec: {  	s3 =	rddreg [dreg:$0x2];
	[bflag:$0x3] =	sbarrier.arrive $0xFFFF;
	s2 =	simm.s32 @!p0 $0x1C05  }
0xed: {  	[timem:s3], [sflag:s2] =	dma.local @!p0 [hbm:s0], s1  }
0xee: {  	s0 =	simm.s32 @!p0 $0x5  }
0xef: {  	_ =	swait.ge @!p0 [sflag:s0], s1  }
0xf0: {  	s1 =	ssub.s32 @!p0 $0x0, s1;
	[sflag:s0] =	ssyncset.done @!p0 $0x0  }
0xf1: {  	[sflag:s0] =	ssyncadd.s32 @!p0 s1  }
0xf2: {  	[bflag:$0x3] =	sbarrier.arrive $0xFFFF  }
0xf3: {  	_ =	shalt  }

</sc_bundles>
